<compile_context>
chip_gen: v7x
topology: tpu7x:2x2x1
jax: 0.10.2.dev20260603
libtpu: 0.0.44.dev20260713+nightly
codegen_flags: <defaults>
</compile_context>

<pallas_src>
import dataclasses
import functools

import jax
import jax.numpy as jnp
from jax import lax
from jax.experimental import pallas as pl
from jax.experimental.pallas import tpu as pltpu
from jax.experimental.pallas import tpu_sc as plsc

N = 10000
D = 128
E = 320000

NS = 16
CHUNK = 128
E_PAD = 327680
NCHUNK_ALL = E_PAD // CHUNK
NCHUNK_SUB = NCHUNK_ALL // NS
RP = 632
N_PAD = NS * RP
HR = N_PAD // 16

ROW_BLK = 632
GRID = N_PAD // ROW_BLK

_mesh = plsc.VectorSubcoreMesh(core_axis_name="c", subcore_axis_name="s")
_CP = dataclasses.replace(pltpu.CompilerParams(), needs_layout_passes=False)


def _i16():
    return lax.iota(jnp.int32, 16)




@jax.jit
def _hist(dst2):

    @functools.partial(
        pl.kernel,
        out_type=jax.ShapeDtypeStruct((2, NS, HR, 16), jnp.float32),
        mesh=_mesh,
        compiler_params=_CP,
        scratch_types=[
            pltpu.VMEM((8, 16), jnp.int32),
            pltpu.VMEM((HR, 16), jnp.float32),
        ],
    )
    def k(dst_hbm, out_hbm, idx_v, hist_v):
        cid = lax.axis_index("c")
        sid = lax.axis_index("s")
        ones = jnp.full((16,), 1.0, jnp.float32)

        @pl.loop(0, HR)
        def _(i):
            hist_v[i, :] = jnp.zeros((16,), jnp.float32)

        base = sid * (NCHUNK_SUB * 8)

        @pl.loop(0, NCHUNK_SUB)
        def _(cnk):
            pltpu.sync_copy(dst_hbm.at[cid, 0, pl.ds(base + cnk * 8, 8), :],
                            idx_v)
            for j in range(8):
                dv = idx_v[j, :]
                plsc.addupdate_scatter(hist_v, [dv // 16, dv % 16], ones)

        pltpu.sync_copy(hist_v, out_hbm.at[cid, sid])

    return k(dst2)


@jax.jit
def _edge_pass(y_t, y_c, src2, dst2):

    @functools.partial(
        pl.kernel,
        out_type=jax.ShapeDtypeStruct((2, NS, RP, D), jnp.float32),
        mesh=_mesh,
        compiler_params=_CP,
        scratch_types=[
            pltpu.VMEM((CHUNK,), jnp.int32),
            pltpu.VMEM((64, 16), jnp.int32),
            pltpu.VMEM((CHUNK, D), jnp.float32),
            pltpu.VMEM((RP, D), jnp.float32),
            pltpu.SemaphoreType.DMA,
        ],
    )
    def k(yt_hbm, yc_hbm, src_hbm, dst_hbm, out_hbm,
          src0_v, dst_v, rows0_v, acc_v, sem):
        cid = lax.axis_index("c")
        sid = lax.axis_index("s")
        lo = jnp.broadcast_to(sid * RP, (16,)).astype(jnp.int32)

        @pl.loop(0, RP)
        def _(i):
            for g in range(8):
                acc_v[i, pl.ds(g * 16, 16)] = jnp.zeros((16,), jnp.float32)

        def scan(y_hbm):
            @pl.loop(0, NCHUNK_ALL // 8)
            def _(sup):
                pltpu.sync_copy(dst_hbm.at[cid, 0, pl.ds(sup * 64, 64), :],
                                dst_v)

                @pl.loop(0, 8)
                def _(b):
                    cnk = sup * 8 + b
                    pltpu.sync_copy(src_hbm.at[cid, 0, cnk, :], src0_v)
                    desc = pltpu.async_copy(y_hbm.at[src0_v], rows0_v, sem)
                    desc.wait()
                    rows_v = rows0_v
                    for j in range(8):
                        dv = dst_v[b * 8 + j, :] - lo
                        m32 = jnp.where(
                            jnp.logical_and(dv >= 0, dv < RP), 1, 0)
                        dvc = jnp.clip(dv, 0, RP - 1)
                        gsum = jnp.sum(m32)

                        @pl.when(gsum > 0)
                        def _():
                            for kk in range(16):
                                sm = jnp.sum(jnp.where(_i16() == kk, m32, 0))

                                @pl.when(sm > 0)
                                def _():
                                    row = jnp.take(
                                        dvc, jnp.full((16,), kk, jnp.int32))
                                    for g in range(8):
                                        plsc.addupdate_scatter(
                                            acc_v, [row, g * 16 + _i16()],
                                            rows_v[j * 16 + kk,
                                                   pl.ds(g * 16, 16)])

        @pl.when(cid == 0)
        def _():
            scan(yt_hbm)

        @pl.when(cid == 1)
        def _():
            scan(yc_hbm)

        pltpu.sync_copy(acc_v, out_hbm.at[cid, sid])

    return k(y_t, y_c, src2, dst2)




def _matmul_body(x_ref, wt_ref, wc_ref, ot_ref, oc_ref):
    x = x_ref[...]
    ot_ref[...] = jnp.dot(x, wt_ref[...], preferred_element_type=jnp.float32)
    oc_ref[...] = jnp.dot(x, wc_ref[...], preferred_element_type=jnp.float32)


@jax.jit
def _matmul(x, W_t, W_c):
    return pl.pallas_call(
        _matmul_body,
        grid=(GRID,),
        in_specs=[
            pl.BlockSpec((ROW_BLK, D), lambda i: (i, 0)),
            pl.BlockSpec((D, D), lambda i: (0, 0)),
            pl.BlockSpec((D, D), lambda i: (0, 0)),
        ],
        out_specs=[
            pl.BlockSpec((ROW_BLK, D), lambda i: (i, 0)),
            pl.BlockSpec((ROW_BLK, D), lambda i: (i, 0)),
        ],
        out_shape=[
            jax.ShapeDtypeStruct((N_PAD, D), jnp.float32),
            jax.ShapeDtypeStruct((N_PAD, D), jnp.float32),
        ],
    )(x, W_t, W_c)


def _prescale_body(xwt_ref, xwc_ref, hist_ref, yt_ref, yc_ref):
    deg_t = 1.0 + jnp.sum(hist_ref[0], axis=1)[:, None]
    deg_c = 1.0 + jnp.sum(hist_ref[1], axis=1)[:, None]
    yt_ref[...] = xwt_ref[...] * lax.rsqrt(deg_t)
    yc_ref[...] = xwc_ref[...] * lax.rsqrt(deg_c)


@jax.jit
def _prescale(xw_t, xw_c, hist_flat):
    return pl.pallas_call(
        _prescale_body,
        grid=(GRID,),
        in_specs=[
            pl.BlockSpec((ROW_BLK, D), lambda i: (i, 0)),
            pl.BlockSpec((ROW_BLK, D), lambda i: (i, 0)),
            pl.BlockSpec((2, ROW_BLK, NS), lambda i: (0, i, 0)),
        ],
        out_specs=[
            pl.BlockSpec((ROW_BLK, D), lambda i: (i, 0)),
            pl.BlockSpec((ROW_BLK, D), lambda i: (i, 0)),
        ],
        out_shape=[
            jax.ShapeDtypeStruct((N_PAD, D), jnp.float32),
            jax.ShapeDtypeStruct((N_PAD, D), jnp.float32),
        ],
    )(xw_t, xw_c, hist_flat)


def _final_body(acc_ref, yt_ref, yc_ref, hist_ref, bt_ref, bc_ref, o_ref):
    dis_t = lax.rsqrt(1.0 + jnp.sum(hist_ref[0], axis=1)[:, None])
    dis_c = lax.rsqrt(1.0 + jnp.sum(hist_ref[1], axis=1)[:, None])
    o_ref[...] = (
        (acc_ref[0, 0] + yt_ref[...]) * dis_t
        + (acc_ref[1, 0] + yc_ref[...]) * dis_c
        + bt_ref[...] + bc_ref[...]
    )


@jax.jit
def _final(acc, y_t, y_c, hist_flat, b_t, b_c):
    return pl.pallas_call(
        _final_body,
        grid=(GRID,),
        in_specs=[
            pl.BlockSpec((2, 1, ROW_BLK, D), lambda i: (0, i, 0, 0)),
            pl.BlockSpec((ROW_BLK, D), lambda i: (i, 0)),
            pl.BlockSpec((ROW_BLK, D), lambda i: (i, 0)),
            pl.BlockSpec((2, ROW_BLK, NS), lambda i: (0, i, 0)),
            pl.BlockSpec((1, D), lambda i: (0, 0)),
            pl.BlockSpec((1, D), lambda i: (0, 0)),
        ],
        out_specs=pl.BlockSpec((ROW_BLK, D), lambda i: (i, 0)),
        out_shape=jax.ShapeDtypeStruct((N_PAD, D), jnp.float32),
    )(acc, y_t, y_c, hist_flat, b_t, b_c)




def kernel(x, edge_index_tree, edge_index_cooccurs, W_tree, b_tree,
           W_cooccurs, b_cooccurs):
    pad0 = jnp.zeros((E_PAD - E,), jnp.int32)
    padj = jnp.full((E_PAD - E,), N, jnp.int32)
    ei_t = edge_index_tree.astype(jnp.int32)
    ei_c = edge_index_cooccurs.astype(jnp.int32)
    src2 = jnp.stack([jnp.concatenate([ei_t[0], pad0]),
                      jnp.concatenate([ei_c[0], pad0])]
                     ).reshape(2, 1, E_PAD // CHUNK, CHUNK)
    dst2 = jnp.stack([jnp.concatenate([ei_t[1], padj]),
                      jnp.concatenate([ei_c[1], padj])]
                     ).reshape(2, 1, E_PAD // 16, 16)

    x_pad = jnp.pad(x, ((0, N_PAD - N), (0, 0)))

    hist = _hist(dst2)
    hist_flat = hist.reshape(2, NS, N_PAD).transpose(0, 2, 1)
    xw_t, xw_c = _matmul(x_pad, W_tree, W_cooccurs)
    y_t, y_c = _prescale(xw_t, xw_c, hist_flat)
    acc = _edge_pass(y_t, y_c, src2, dst2)
    out = _final(acc, y_t, y_c, hist_flat,
                 b_tree.reshape(1, D), b_cooccurs.reshape(1, D))
    return out[:N]

# --- scband reference (transcript-rebuilt; emitter-appended) ---
"""Pipeline reference for scband-heterogenous-ontology-embedding-36206574305717 (READ-ONLY COPY).

The authoritative reference and input builder live on the scoring server;
editing this copy changes nothing except your own understanding.
"""

import jax, jax.numpy as jnp
import numpy as np

N_NODES = 10000
EMBED_DIM = 128
N_EDGES = 320000


def _gcn_conv(x, edge_index, W, b):
    """PyG GCNConv: add self-loops, symmetric normalization, linear transform,
    gather messages from src, scatter-add into dst, add bias."""
    N = x.shape[0]
    loop = jnp.arange(N, dtype=edge_index.dtype)
    src = jnp.concatenate([edge_index[0], loop])
    dst = jnp.concatenate([edge_index[1], loop])
    deg = jnp.zeros((N,), dtype=x.dtype).at[dst].add(1.0)
    deg_inv_sqrt = jnp.where(deg > 0, jax.lax.rsqrt(jnp.maximum(deg, 1e-12)), 0.0)
    norm = deg_inv_sqrt[src] * deg_inv_sqrt[dst]
    xw = x @ W
    msg = xw[src] * norm[:, None]
    out = jnp.zeros((N, xw.shape[1]), dtype=x.dtype).at[dst].add(msg)
    return out + b


def setup_inputs(seed: int = 0) -> dict:
    key = jax.random.key(seed)
    k1, k2, k3, k4, k5, k6, k7 = jax.random.split(key, 7)
    x = jax.random.normal(k1, (N_NODES, EMBED_DIM), dtype=jnp.float32)
    edge_index_tree = jax.random.randint(k2, (2, N_EDGES), 0, N_NODES, dtype=jnp.int64)
    edge_index_cooccurs = jax.random.randint(k3, (2, N_EDGES), 0, N_NODES, dtype=jnp.int64)
    scale = 1.0 / np.sqrt(EMBED_DIM)
    W_tree = jax.random.uniform(k4, (EMBED_DIM, EMBED_DIM), minval=-scale, maxval=scale, dtype=jnp.float32)
    b_tree = jnp.zeros((EMBED_DIM,), dtype=jnp.float32)
    W_cooccurs = jax.random.uniform(k5, (EMBED_DIM, EMBED_DIM), minval=-scale, maxval=scale, dtype=jnp.float32)
    b_cooccurs = jnp.zeros((EMBED_DIM,), dtype=jnp.float32)
    return {
        "x": x,
        "edge_index_tree": edge_index_tree,
        "edge_index_cooccurs": edge_index_cooccurs,
        "W_tree": W_tree,
        "b_tree": b_tree,
        "W_cooccurs": W_cooccurs,
        "b_cooccurs": b_cooccurs,
    }


def reference(x, edge_index_tree, edge_index_cooccurs, W_tree, b_tree, W_cooccurs, b_cooccurs):
    # HeteroConv({('code','tree','code'): GCNConv, ('code','cooccurs','code'): GCNConv}, aggr='sum')
    # graph_num_layers=1, graph_num_filters=1: per-relation GCNConv outputs summed per dst node type.
    out_tree = _gcn_conv(x, edge_index_tree, W_tree, b_tree)
    out_co = _gcn_conv(x, edge_index_cooccurs, W_cooccurs, b_cooccurs)
    return out_tree + out_co

if __name__ == "__main__":
    import jax
    _d = setup_inputs()
    print(jax.jit(kernel)(*tuple(_d.values())))

</pallas_src>

<mosaic_0001>
#map = affine_map<(d0, d1) -> (0, 0, 0, 0)>
module attributes {stable_mosaic.version = 14 : i64} {
  func.func @k(%arg0: i32, %arg1: i32, %arg2: memref<2x1x20480x16xi32, #tpu.memory_space<hbm>>, %arg3: memref<2x16x632x16xf32, #tpu.memory_space<hbm>>, %arg4: memref<8x16xi32, #tpu.memory_space<vmem>>, %arg5: memref<632x16xf32, #tpu.memory_space<vmem>>) attributes {dimension_semantics = [#tpu.dimension_semantics<core_parallel>, #tpu.dimension_semantics<subcore_parallel>], iteration_bounds = array<i64: 2, 16>, scalar_prefetch = 0 : i64, scratch_operands = 2 : i64, tpu.core_type = #tpu.core_type<sc_vector_subcore>, window_params = [{transform_indices = #map}, {transform_indices = #map}]} {
    %broadcast_in_dim3A = arith.constant 1.000000e+00 : f32
    %broadcast_in_dim3A_0 = vector.broadcast %broadcast_in_dim3A : f32 to vector<16xf32>
    %scan3A = arith.constant 0 : i32
    %scan3A_1 = arith.constant 632 : i32
    %scan3A_2 = arith.addi %scan3A, %scan3A_1 : i32
    %scan3A_3 = arith.constant 1 : i32
    scf.for %scan3A_11 = %scan3A to %scan3A_2 step %scan3A_3  : i32 {
      %mul3A_12 = arith.constant 1 : i32
      %mul3A_13 = arith.muli %scan3A_11, %mul3A_12 : i32
      %add3A = arith.constant 0 : i32
      %add3A_14 = arith.addi %add3A, %mul3A_13 : i32
      %broadcast_in_dim3A_15 = arith.constant 0.000000e+00 : f32
      %broadcast_in_dim3A_16 = vector.broadcast %broadcast_in_dim3A_15 : f32 to vector<16xf32>
      %swap3A = arith.index_cast %add3A_14 : i32 to index
      %swap3A_17 = arith.constant 0 : index
      %swap3A_18 = tpu.vector_load %arg5[%swap3A, %swap3A_17] {strides = array<i32>} : memref<632x16xf32, #tpu.memory_space<vmem>>, vector<16xf32>,
      tpu.vector_store %arg5[%swap3A, %swap3A_17], %broadcast_in_dim3A_16 {strides = array<i32>} : memref<632x16xf32, #tpu.memory_space<vmem>>, vector<16xf32>,
    }
    %scan3A_4 = arith.constant 632 : i32
    %mul3A = arith.constant 1280 : i32
    %mul3A_5 = arith.muli %arg1, %mul3A : i32
    %scan3A_6 = arith.constant 0 : i32
    %scan3A_7 = arith.constant 160 : i32
    %scan3A_8 = arith.addi %scan3A_6, %scan3A_7 : i32
    %scan3A_9 = arith.constant 1 : i32
    scf.for %scan3A_11 = %scan3A_6 to %scan3A_8 step %scan3A_9  : i32 {
      %mul3A_12 = arith.constant 1 : i32
      %mul3A_13 = arith.muli %scan3A_11, %mul3A_12 : i32
      %add3A = arith.constant 0 : i32
      %add3A_14 = arith.addi %add3A, %mul3A_13 : i32
      %mul3A_15 = arith.constant 8 : i32
      %mul3A_16 = arith.muli %add3A_14, %mul3A_15 : i32
      %add3A_17 = arith.addi %mul3A_5, %mul3A_16 : i32
      %run_scoped3A = arith.constant 0 : i32
      "tpu.region"() ({
        %run_scoped3A_463 = tpu.sem_alloc : memref<!tpu.dma_semaphore, #tpu.memory_space<semaphore_mem>>
        %dma_start3A = arith.constant 0 : i32
        %dma_start3A_464 = tpu.memref_slice %arg2[%arg0, %run_scoped3A, %add3A_17, %dma_start3A] : memref<2x1x20480x16xi32, #tpu.memory_space<hbm>> -> memref<1x1x8x16xi32, #tpu.memory_space<hbm>>
        %dma_start3A_465 = tpu.memref_squeeze %dma_start3A_464 : memref<1x1x8x16xi32, #tpu.memory_space<hbm>> -> memref<8x16xi32, #tpu.memory_space<hbm>>
        %dma_start3A_466 = arith.constant 0 : i32
        %dma_start3A_467 = tpu.memref_slice %arg2[%arg0, %run_scoped3A, %add3A_17, %dma_start3A_466] : memref<2x1x20480x16xi32, #tpu.memory_space<hbm>> -> memref<1x1x8x16xi32, #tpu.memory_space<hbm>>
        %dma_start3A_468 = tpu.memref_squeeze %dma_start3A_467 : memref<1x1x8x16xi32, #tpu.memory_space<hbm>> -> memref<8x16xi32, #tpu.memory_space<hbm>>
        tpu.enqueue_dma source(%dma_start3A_468 : memref<8x16xi32, #tpu.memory_space<hbm>>) target(%arg4 : memref<8x16xi32, #tpu.memory_space<vmem>>) target_semaphore(%run_scoped3A_463 : memref<!tpu.dma_semaphore, #tpu.memory_space<semaphore_mem>>)
        %dma_wait3A = arith.constant 0 : i32
        %dma_wait3A_469 = tpu.memref_slice %arg2[%arg0, %run_scoped3A, %add3A_17, %dma_wait3A] : memref<2x1x20480x16xi32, #tpu.memory_space<hbm>> -> memref<1x1x8x16xi32, #tpu.memory_space<hbm>>
        %dma_wait3A_470 = tpu.memref_squeeze %dma_wait3A_469 : memref<1x1x8x16xi32, #tpu.memory_space<hbm>> -> memref<8x16xi32, #tpu.memory_space<hbm>>
        %dma_wait3A_471 = arith.constant 0 : i32
        %dma_wait3A_472 = tpu.memref_slice %arg2[%arg0, %run_scoped3A, %add3A_17, %dma_wait3A_471] : memref<2x1x20480x16xi32, #tpu.memory_space<hbm>> -> memref<1x1x8x16xi32, #tpu.memory_space<hbm>>
        %dma_wait3A_473 = tpu.memref_squeeze %dma_wait3A_472 : memref<1x1x8x16xi32, #tpu.memory_space<hbm>> -> memref<8x16xi32, #tpu.memory_space<hbm>>
        tpu.wait_dma2 semaphore(%run_scoped3A_463 : memref<!tpu.dma_semaphore, #tpu.memory_space<semaphore_mem>>) src(%dma_wait3A_473 : memref<8x16xi32, #tpu.memory_space<hbm>>) dst(%arg4 : memref<8x16xi32, #tpu.memory_space<vmem>>)
        tpu.yield
      }) : () -> ()
      %get3A = arith.constant 0 : i32
      %get3A_18 = arith.index_cast %get3A : i32 to index
      %get3A_19 = arith.constant 0 : index
      %get3A_20 = tpu.vector_load %arg4[%get3A_18, %get3A_19] {strides = array<i32>} : memref<8x16xi32, #tpu.memory_space<vmem>>, vector<16xi32>,
      %jit3A = arith.constant 16 : i32
      %div3A = vector.broadcast %jit3A : i32 to vector<16xi32>
      %div3A_21 = arith.divsi %get3A_20, %div3A : vector<16xi32>
      %sign3A = arith.constant 0 : i32
      %sign3A_22 = vector.broadcast %sign3A : i32 to vector<16xi32>
      %sign3A_23 = arith.cmpi sgt, %get3A_20, %sign3A_22 : vector<16xi32>
      %sign3A_24 = arith.extui %sign3A_23 : vector<16xi1> to vector<16xi32>
      %sign3A_25 = arith.constant 0 : i32
      %sign3A_26 = vector.broadcast %sign3A_25 : i32 to vector<16xi32>
      %sign3A_27 = arith.cmpi slt, %get3A_20, %sign3A_26 : vector<16xi32>
      %sign3A_28 = arith.extui %sign3A_27 : vector<16xi1> to vector<16xi32>
      %sign3A_29 = arith.subi %sign3A_24, %sign3A_28 : vector<16xi32>
      %sign3A_30 = arith.constant 0 : i32
      %sign3A_31 = arith.cmpi sgt, %jit3A, %sign3A_30 : i32
      %sign3A_32 = arith.extui %sign3A_31 : i1 to i32
      %sign3A_33 = arith.constant 0 : i32
      %sign3A_34 = arith.cmpi slt, %jit3A, %sign3A_33 : i32
      %sign3A_35 = arith.extui %sign3A_34 : i1 to i32
      %sign3A_36 = arith.subi %sign3A_32, %sign3A_35 : i32
      %ne3A = vector.broadcast %sign3A_36 : i32 to vector<16xi32>
      %ne3A_37 = arith.cmpi ne, %sign3A_29, %ne3A : vector<16xi32>
      %rem3A = vector.broadcast %jit3A : i32 to vector<16xi32>
      %rem3A_38 = arith.remsi %get3A_20, %rem3A : vector<16xi32>
      %ne3A_39 = arith.constant 0 : i32
      %ne3A_40 = vector.broadcast %ne3A_39 : i32 to vector<16xi32>
      %ne3A_41 = arith.cmpi ne, %rem3A_38, %ne3A_40 : vector<16xi32>
      %and3A = arith.andi %ne3A_37, %ne3A_41 : vector<16xi1>
      %sub3A = arith.constant 1 : i32
      %sub3A_42 = vector.broadcast %sub3A : i32 to vector<16xi32>
      %sub3A_43 = arith.subi %div3A_21, %sub3A_42 : vector<16xi32>
      %select_n3A = arith.select %and3A, %sub3A_43, %div3A_21 : vector<16xi1>, vector<16xi32>
      %jit3A_44 = arith.constant 16 : i32
      %eq3A = arith.constant 0 : i32
      %eq3A_45 = arith.cmpi eq, %jit3A_44, %eq3A : i32
      %jit3A_46 = arith.constant 1 : i32
      %select_n3A_47 = arith.select %eq3A_45, %jit3A_46, %jit3A_44 : i32
      %rem3A_48 = vector.broadcast %select_n3A_47 : i32 to vector<16xi32>
      %rem3A_49 = arith.remsi %get3A_20, %rem3A_48 : vector<16xi32>
      %ne3A_50 = arith.constant 0 : i32
      %ne3A_51 = vector.broadcast %ne3A_50 : i32 to vector<16xi32>
      %ne3A_52 = arith.cmpi ne, %rem3A_49, %ne3A_51 : vector<16xi32>
      %lt3A = arith.constant 0 : i32
      %lt3A_53 = vector.broadcast %lt3A : i32 to vector<16xi32>
      %lt3A_54 = arith.cmpi slt, %rem3A_49, %lt3A_53 : vector<16xi32>
      %lt3A_55 = arith.constant 0 : i32
      %lt3A_56 = arith.cmpi slt, %select_n3A_47, %lt3A_55 : i32
      %ne3A_57 = vector.broadcast %lt3A_56 : i1 to vector<16xi1>
      %ne3A_58 = vector.broadcast %ne3A_57 : vector<16xi1> to vector<16xi1>
      %ne3A_59 = arith.xori %lt3A_54, %ne3A_58 : vector<16xi1>
      %and3A_60 = arith.andi %ne3A_59, %ne3A_52 : vector<16xi1>
      %add3A_61 = vector.broadcast %select_n3A_47 : i32 to vector<16xi32>
      %add3A_62 = arith.addi %rem3A_49, %add3A_61 : vector<16xi32>
      %select_n3A_63 = arith.select %and3A_60, %add3A_62, %rem3A_49 : vector<16xi1>, vector<16xi32>
      tpu.vector_store_idx %arg5[%select_n3A, %select_n3A_63], %broadcast_in_dim3A_0 {add = true} : memref<632x16xf32, #tpu.memory_space<vmem>>[vector<16xi32>, vector<16xi32>], vector<16xf32>,
      %get3A_64 = arith.constant 1 : i32
      %get3A_65 = arith.index_cast %get3A_64 : i32 to index
      %get3A_66 = arith.constant 0 : index
      %get3A_67 = tpu.vector_load %arg4[%get3A_65, %get3A_66] {strides = array<i32>} : memref<8x16xi32, #tpu.memory_space<vmem>>, vector<16xi32>,
      %jit3A_68 = arith.constant 16 : i32
      %div3A_69 = vector.broadcast %jit3A_68 : i32 to vector<16xi32>
      %div3A_70 = arith.divsi %get3A_67, %div3A_69 : vector<16xi32>
      %sign3A_71 = arith.constant 0 : i32
      %sign3A_72 = vector.broadcast %sign3A_71 : i32 to vector<16xi32>
      %sign3A_73 = arith.cmpi sgt, %get3A_67, %sign3A_72 : vector<16xi32>
      %sign3A_74 = arith.extui %sign3A_73 : vector<16xi1> to vector<16xi32>
      %sign3A_75 = arith.constant 0 : i32
      %sign3A_76 = vector.broadcast %sign3A_75 : i32 to vector<16xi32>
      %sign3A_77 = arith.cmpi slt, %get3A_67, %sign3A_76 : vector<16xi32>
      %sign3A_78 = arith.extui %sign3A_77 : vector<16xi1> to vector<16xi32>
      %sign3A_79 = arith.subi %sign3A_74, %sign3A_78 : vector<16xi32>
      %sign3A_80 = arith.constant 0 : i32
      %sign3A_81 = arith.cmpi sgt, %jit3A_68, %sign3A_80 : i32
      %sign3A_82 = arith.extui %sign3A_81 : i1 to i32
      %sign3A_83 = arith.constant 0 : i32
      %sign3A_84 = arith.cmpi slt, %jit3A_68, %sign3A_83 : i32
      %sign3A_85 = arith.extui %sign3A_84 : i1 to i32
      %sign3A_86 = arith.subi %sign3A_82, %sign3A_85 : i32
      %ne3A_87 = vector.broadcast %sign3A_86 : i32 to vector<16xi32>
      %ne3A_88 = arith.cmpi ne, %sign3A_79, %ne3A_87 : vector<16xi32>
      %rem3A_89 = vector.broadcast %jit3A_68 : i32 to vector<16xi32>
      %rem3A_90 = arith.remsi %get3A_67, %rem3A_89 : vector<16xi32>
      %ne3A_91 = arith.constant 0 : i32
      %ne3A_92 = vector.broadcast %ne3A_91 : i32 to vector<16xi32>
      %ne3A_93 = arith.cmpi ne, %rem3A_90, %ne3A_92 : vector<16xi32>
      %and3A_94 = arith.andi %ne3A_88, %ne3A_93 : vector<16xi1>
      %sub3A_95 = arith.constant 1 : i32
      %sub3A_96 = vector.broadcast %sub3A_95 : i32 to vector<16xi32>
      %sub3A_97 = arith.subi %div3A_70, %sub3A_96 : vector<16xi32>
      %select_n3A_98 = arith.select %and3A_94, %sub3A_97, %div3A_70 : vector<16xi1>, vector<16xi32>
      %jit3A_99 = arith.constant 16 : i32
      %eq3A_100 = arith.constant 0 : i32
      %eq3A_101 = arith.cmpi eq, %jit3A_99, %eq3A_100 : i32
      %jit3A_102 = arith.constant 1 : i32
      %select_n3A_103 = arith.select %eq3A_101, %jit3A_102, %jit3A_99 : i32
      %rem3A_104 = vector.broadcast %select_n3A_103 : i32 to vector<16xi32>
      %rem3A_105 = arith.remsi %get3A_67, %rem3A_104 : vector<16xi32>
      %ne3A_106 = arith.constant 0 : i32
      %ne3A_107 = vector.broadcast %ne3A_106 : i32 to vector<16xi32>
      %ne3A_108 = arith.cmpi ne, %rem3A_105, %ne3A_107 : vector<16xi32>
      %lt3A_109 = arith.constant 0 : i32
      %lt3A_110 = vector.broadcast %lt3A_109 : i32 to vector<16xi32>
      %lt3A_111 = arith.cmpi slt, %rem3A_105, %lt3A_110 : vector<16xi32>
      %lt3A_112 = arith.constant 0 : i32
      %lt3A_113 = arith.cmpi slt, %select_n3A_103, %lt3A_112 : i32
      %ne3A_114 = vector.broadcast %lt3A_113 : i1 to vector<16xi1>
      %ne3A_115 = vector.broadcast %ne3A_114 : vector<16xi1> to vector<16xi1>
      %ne3A_116 = arith.xori %lt3A_111, %ne3A_115 : vector<16xi1>
      %and3A_117 = arith.andi %ne3A_116, %ne3A_108 : vector<16xi1>
      %add3A_118 = vector.broadcast %select_n3A_103 : i32 to vector<16xi32>
      %add3A_119 = arith.addi %rem3A_105, %add3A_118 : vector<16xi32>
      %select_n3A_120 = arith.select %and3A_117, %add3A_119, %rem3A_105 : vector<16xi1>, vector<16xi32>
      tpu.vector_store_idx %arg5[%select_n3A_98, %select_n3A_120], %broadcast_in_dim3A_0 {add = true} : memref<632x16xf32, #tpu.memory_space<vmem>>[vector<16xi32>, vector<16xi32>], vector<16xf32>,
      %get3A_121 = arith.constant 2 : i32
      %get3A_122 = arith.index_cast %get3A_121 : i32 to index
      %get3A_123 = arith.constant 0 : index
      %get3A_124 = tpu.vector_load %arg4[%get3A_122, %get3A_123] {strides = array<i32>} : memref<8x16xi32, #tpu.memory_space<vmem>>, vector<16xi32>,
      %jit3A_125 = arith.constant 16 : i32
      %div3A_126 = vector.broadcast %jit3A_125 : i32 to vector<16xi32>
      %div3A_127 = arith.divsi %get3A_124, %div3A_126 : vector<16xi32>
      %sign3A_128 = arith.constant 0 : i32
      %sign3A_129 = vector.broadcast %sign3A_128 : i32 to vector<16xi32>
      %sign3A_130 = arith.cmpi sgt, %get3A_124, %sign3A_129 : vector<16xi32>
      %sign3A_131 = arith.extui %sign3A_130 : vector<16xi1> to vector<16xi32>
      %sign3A_132 = arith.constant 0 : i32
      %sign3A_133 = vector.broadcast %sign3A_132 : i32 to vector<16xi32>
      %sign3A_134 = arith.cmpi slt, %get3A_124, %sign3A_133 : vector<16xi32>
      %sign3A_135 = arith.extui %sign3A_134 : vector<16xi1> to vector<16xi32>
      %sign3A_136 = arith.subi %sign3A_131, %sign3A_135 : vector<16xi32>
      %sign3A_137 = arith.constant 0 : i32
      %sign3A_138 = arith.cmpi sgt, %jit3A_125, %sign3A_137 : i32
      %sign3A_139 = arith.extui %sign3A_138 : i1 to i32
      %sign3A_140 = arith.constant 0 : i32
      %sign3A_141 = arith.cmpi slt, %jit3A_125, %sign3A_140 : i32
      %sign3A_142 = arith.extui %sign3A_141 : i1 to i32
      %sign3A_143 = arith.subi %sign3A_139, %sign3A_142 : i32
      %ne3A_144 = vector.broadcast %sign3A_143 : i32 to vector<16xi32>
      %ne3A_145 = arith.cmpi ne, %sign3A_136, %ne3A_144 : vector<16xi32>
      %rem3A_146 = vector.broadcast %jit3A_125 : i32 to vector<16xi32>
      %rem3A_147 = arith.remsi %get3A_124, %rem3A_146 : vector<16xi32>
      %ne3A_148 = arith.constant 0 : i32
      %ne3A_149 = vector.broadcast %ne3A_148 : i32 to vector<16xi32>
      %ne3A_150 = arith.cmpi ne, %rem3A_147, %ne3A_149 : vector<16xi32>
      %and3A_151 = arith.andi %ne3A_145, %ne3A_150 : vector<16xi1>
      %sub3A_152 = arith.constant 1 : i32
      %sub3A_153 = vector.broadcast %sub3A_152 : i32 to vector<16xi32>
      %sub3A_154 = arith.subi %div3A_127, %sub3A_153 : vector<16xi32>
      %select_n3A_155 = arith.select %and3A_151, %sub3A_154, %div3A_127 : vector<16xi1>, vector<16xi32>
      %jit3A_156 = arith.constant 16 : i32
      %eq3A_157 = arith.constant 0 : i32
      %eq3A_158 = arith.cmpi eq, %jit3A_156, %eq3A_157 : i32
      %jit3A_159 = arith.constant 1 : i32
      %select_n3A_160 = arith.select %eq3A_158, %jit3A_159, %jit3A_156 : i32
      %rem3A_161 = vector.broadcast %select_n3A_160 : i32 to vector<16xi32>
      %rem3A_162 = arith.remsi %get3A_124, %rem3A_161 : vector<16xi32>
      %ne3A_163 = arith.constant 0 : i32
      %ne3A_164 = vector.broadcast %ne3A_163 : i32 to vector<16xi32>
      %ne3A_165 = arith.cmpi ne, %rem3A_162, %ne3A_164 : vector<16xi32>
      %lt3A_166 = arith.constant 0 : i32
      %lt3A_167 = vector.broadcast %lt3A_166 : i32 to vector<16xi32>
      %lt3A_168 = arith.cmpi slt, %rem3A_162, %lt3A_167 : vector<16xi32>
      %lt3A_169 = arith.constant 0 : i32
      %lt3A_170 = arith.cmpi slt, %select_n3A_160, %lt3A_169 : i32
      %ne3A_171 = vector.broadcast %lt3A_170 : i1 to vector<16xi1>
      %ne3A_172 = vector.broadcast %ne3A_171 : vector<16xi1> to vector<16xi1>
      %ne3A_173 = arith.xori %lt3A_168, %ne3A_172 : vector<16xi1>
      %and3A_174 = arith.andi %ne3A_173, %ne3A_165 : vector<16xi1>
      %add3A_175 = vector.broadcast %select_n3A_160 : i32 to vector<16xi32>
      %add3A_176 = arith.addi %rem3A_162, %add3A_175 : vector<16xi32>
      %select_n3A_177 = arith.select %and3A_174, %add3A_176, %rem3A_162 : vector<16xi1>, vector<16xi32>
      tpu.vector_store_idx %arg5[%select_n3A_155, %select_n3A_177], %broadcast_in_dim3A_0 {add = true} : memref<632x16xf32, #tpu.memory_space<vmem>>[vector<16xi32>, vector<16xi32>], vector<16xf32>,
      %get3A_178 = arith.constant 3 : i32
      %get3A_179 = arith.index_cast %get3A_178 : i32 to index
      %get3A_180 = arith.constant 0 : index
      %get3A_181 = tpu.vector_load %arg4[%get3A_179, %get3A_180] {strides = array<i32>} : memref<8x16xi32, #tpu.memory_space<vmem>>, vector<16xi32>,
      %jit3A_182 = arith.constant 16 : i32
      %div3A_183 = vector.broadcast %jit3A_182 : i32 to vector<16xi32>
      %div3A_184 = arith.divsi %get3A_181, %div3A_183 : vector<16xi32>
      %sign3A_185 = arith.constant 0 : i32
      %sign3A_186 = vector.broadcast %sign3A_185 : i32 to vector<16xi32>
      %sign3A_187 = arith.cmpi sgt, %get3A_181, %sign3A_186 : vector<16xi32>
      %sign3A_188 = arith.extui %sign3A_187 : vector<16xi1> to vector<16xi32>
      %sign3A_189 = arith.constant 0 : i32
      %sign3A_190 = vector.broadcast %sign3A_189 : i32 to vector<16xi32>
      %sign3A_191 = arith.cmpi slt, %get3A_181, %sign3A_190 : vector<16xi32>
      %sign3A_192 = arith.extui %sign3A_191 : vector<16xi1> to vector<16xi32>
      %sign3A_193 = arith.subi %sign3A_188, %sign3A_192 : vector<16xi32>
      %sign3A_194 = arith.constant 0 : i32
      %sign3A_195 = arith.cmpi sgt, %jit3A_182, %sign3A_194 : i32
      %sign3A_196 = arith.extui %sign3A_195 : i1 to i32
      %sign3A_197 = arith.constant 0 : i32
      %sign3A_198 = arith.cmpi slt, %jit3A_182, %sign3A_197 : i32
      %sign3A_199 = arith.extui %sign3A_198 : i1 to i32
      %sign3A_200 = arith.subi %sign3A_196, %sign3A_199 : i32
      %ne3A_201 = vector.broadcast %sign3A_200 : i32 to vector<16xi32>
      %ne3A_202 = arith.cmpi ne, %sign3A_193, %ne3A_201 : vector<16xi32>
      %rem3A_203 = vector.broadcast %jit3A_182 : i32 to vector<16xi32>
      %rem3A_204 = arith.remsi %get3A_181, %rem3A_203 : vector<16xi32>
      %ne3A_205 = arith.constant 0 : i32
      %ne3A_206 = vector.broadcast %ne3A_205 : i32 to vector<16xi32>
      %ne3A_207 = arith.cmpi ne, %rem3A_204, %ne3A_206 : vector<16xi32>
      %and3A_208 = arith.andi %ne3A_202, %ne3A_207 : vector<16xi1>
      %sub3A_209 = arith.constant 1 : i32
      %sub3A_210 = vector.broadcast %sub3A_209 : i32 to vector<16xi32>
      %sub3A_211 = arith.subi %div3A_184, %sub3A_210 : vector<16xi32>
      %select_n3A_212 = arith.select %and3A_208, %sub3A_211, %div3A_184 : vector<16xi1>, vector<16xi32>
      %jit3A_213 = arith.constant 16 : i32
      %eq3A_214 = arith.constant 0 : i32
      %eq3A_215 = arith.cmpi eq, %jit3A_213, %eq3A_214 : i32
      %jit3A_216 = arith.constant 1 : i32
      %select_n3A_217 = arith.select %eq3A_215, %jit3A_216, %jit3A_213 : i32
      %rem3A_218 = vector.broadcast %select_n3A_217 : i32 to vector<16xi32>
      %rem3A_219 = arith.remsi %get3A_181, %rem3A_218 : vector<16xi32>
      %ne3A_220 = arith.constant 0 : i32
      %ne3A_221 = vector.broadcast %ne3A_220 : i32 to vector<16xi32>
      %ne3A_222 = arith.cmpi ne, %rem3A_219, %ne3A_221 : vector<16xi32>
      %lt3A_223 = arith.constant 0 : i32
      %lt3A_224 = vector.broadcast %lt3A_223 : i32 to vector<16xi32>
      %lt3A_225 = arith.cmpi slt, %rem3A_219, %lt3A_224 : vector<16xi32>
      %lt3A_226 = arith.constant 0 : i32
      %lt3A_227 = arith.cmpi slt, %select_n3A_217, %lt3A_226 : i32
      %ne3A_228 = vector.broadcast %lt3A_227 : i1 to vector<16xi1>
      %ne3A_229 = vector.broadcast %ne3A_228 : vector<16xi1> to vector<16xi1>
      %ne3A_230 = arith.xori %lt3A_225, %ne3A_229 : vector<16xi1>
      %and3A_231 = arith.andi %ne3A_230, %ne3A_222 : vector<16xi1>
      %add3A_232 = vector.broadcast %select_n3A_217 : i32 to vector<16xi32>
      %add3A_233 = arith.addi %rem3A_219, %add3A_232 : vector<16xi32>
      %select_n3A_234 = arith.select %and3A_231, %add3A_233, %rem3A_219 : vector<16xi1>, vector<16xi32>
      tpu.vector_store_idx %arg5[%select_n3A_212, %select_n3A_234], %broadcast_in_dim3A_0 {add = true} : memref<632x16xf32, #tpu.memory_space<vmem>>[vector<16xi32>, vector<16xi32>], vector<16xf32>,
      %get3A_235 = arith.constant 4 : i32
      %get3A_236 = arith.index_cast %get3A_235 : i32 to index
      %get3A_237 = arith.constant 0 : index
      %get3A_238 = tpu.vector_load %arg4[%get3A_236, %get3A_237] {strides = array<i32>} : memref<8x16xi32, #tpu.memory_space<vmem>>, vector<16xi32>,
      %jit3A_239 = arith.constant 16 : i32
      %div3A_240 = vector.broadcast %jit3A_239 : i32 to vector<16xi32>
      %div3A_241 = arith.divsi %get3A_238, %div3A_240 : vector<16xi32>
      %sign3A_242 = arith.constant 0 : i32
      %sign3A_243 = vector.broadcast %sign3A_242 : i32 to vector<16xi32>
      %sign3A_244 = arith.cmpi sgt, %get3A_238, %sign3A_243 : vector<16xi32>
      %sign3A_245 = arith.extui %sign3A_244 : vector<16xi1> to vector<16xi32>
      %sign3A_246 = arith.constant 0 : i32
      %sign3A_247 = vector.broadcast %sign3A_246 : i32 to vector<16xi32>
      %sign3A_248 = arith.cmpi slt, %get3A_238, %sign3A_247 : vector<16xi32>
      %sign3A_249 = arith.extui %sign3A_248 : vector<16xi1> to vector<16xi32>
      %sign3A_250 = arith.subi %sign3A_245, %sign3A_249 : vector<16xi32>
      %sign3A_251 = arith.constant 0 : i32
      %sign3A_252 = arith.cmpi sgt, %jit3A_239, %sign3A_251 : i32
      %sign3A_253 = arith.extui %sign3A_252 : i1 to i32
      %sign3A_254 = arith.constant 0 : i32
      %sign3A_255 = arith.cmpi slt, %jit3A_239, %sign3A_254 : i32
      %sign3A_256 = arith.extui %sign3A_255 : i1 to i32
      %sign3A_257 = arith.subi %sign3A_253, %sign3A_256 : i32
      %ne3A_258 = vector.broadcast %sign3A_257 : i32 to vector<16xi32>
      %ne3A_259 = arith.cmpi ne, %sign3A_250, %ne3A_258 : vector<16xi32>
      %rem3A_260 = vector.broadcast %jit3A_239 : i32 to vector<16xi32>
      %rem3A_261 = arith.remsi %get3A_238, %rem3A_260 : vector<16xi32>
      %ne3A_262 = arith.constant 0 : i32
      %ne3A_263 = vector.broadcast %ne3A_262 : i32 to vector<16xi32>
      %ne3A_264 = arith.cmpi ne, %rem3A_261, %ne3A_263 : vector<16xi32>
      %and3A_265 = arith.andi %ne3A_259, %ne3A_264 : vector<16xi1>
      %sub3A_266 = arith.constant 1 : i32
      %sub3A_267 = vector.broadcast %sub3A_266 : i32 to vector<16xi32>
      %sub3A_268 = arith.subi %div3A_241, %sub3A_267 : vector<16xi32>
      %select_n3A_269 = arith.select %and3A_265, %sub3A_268, %div3A_241 : vector<16xi1>, vector<16xi32>
      %jit3A_270 = arith.constant 16 : i32
      %eq3A_271 = arith.constant 0 : i32
      %eq3A_272 = arith.cmpi eq, %jit3A_270, %eq3A_271 : i32
      %jit3A_273 = arith.constant 1 : i32
      %select_n3A_274 = arith.select %eq3A_272, %jit3A_273, %jit3A_270 : i32
      %rem3A_275 = vector.broadcast %select_n3A_274 : i32 to vector<16xi32>
      %rem3A_276 = arith.remsi %get3A_238, %rem3A_275 : vector<16xi32>
      %ne3A_277 = arith.constant 0 : i32
      %ne3A_278 = vector.broadcast %ne3A_277 : i32 to vector<16xi32>
      %ne3A_279 = arith.cmpi ne, %rem3A_276, %ne3A_278 : vector<16xi32>
      %lt3A_280 = arith.constant 0 : i32
      %lt3A_281 = vector.broadcast %lt3A_280 : i32 to vector<16xi32>
      %lt3A_282 = arith.cmpi slt, %rem3A_276, %lt3A_281 : vector<16xi32>
      %lt3A_283 = arith.constant 0 : i32
      %lt3A_284 = arith.cmpi slt, %select_n3A_274, %lt3A_283 : i32
      %ne3A_285 = vector.broadcast %lt3A_284 : i1 to vector<16xi1>
      %ne3A_286 = vector.broadcast %ne3A_285 : vector<16xi1> to vector<16xi1>
      %ne3A_287 = arith.xori %lt3A_282, %ne3A_286 : vector<16xi1>
      %and3A_288 = arith.andi %ne3A_287, %ne3A_279 : vector<16xi1>
      %add3A_289 = vector.broadcast %select_n3A_274 : i32 to vector<16xi32>
      %add3A_290 = arith.addi %rem3A_276, %add3A_289 : vector<16xi32>
      %select_n3A_291 = arith.select %and3A_288, %add3A_290, %rem3A_276 : vector<16xi1>, vector<16xi32>
      tpu.vector_store_idx %arg5[%select_n3A_269, %select_n3A_291], %broadcast_in_dim3A_0 {add = true} : memref<632x16xf32, #tpu.memory_space<vmem>>[vector<16xi32>, vector<16xi32>], vector<16xf32>,
      %get3A_292 = arith.constant 5 : i32
      %get3A_293 = arith.index_cast %get3A_292 : i32 to index
      %get3A_294 = arith.constant 0 : index
      %get3A_295 = tpu.vector_load %arg4[%get3A_293, %get3A_294] {strides = array<i32>} : memref<8x16xi32, #tpu.memory_space<vmem>>, vector<16xi32>,
      %jit3A_296 = arith.constant 16 : i32
      %div3A_297 = vector.broadcast %jit3A_296 : i32 to vector<16xi32>
      %div3A_298 = arith.divsi %get3A_295, %div3A_297 : vector<16xi32>
      %sign3A_299 = arith.constant 0 : i32
      %sign3A_300 = vector.broadcast %sign3A_299 : i32 to vector<16xi32>
      %sign3A_301 = arith.cmpi sgt, %get3A_295, %sign3A_300 : vector<16xi32>
      %sign3A_302 = arith.extui %sign3A_301 : vector<16xi1> to vector<16xi32>
      %sign3A_303 = arith.constant 0 : i32
      %sign3A_304 = vector.broadcast %sign3A_303 : i32 to vector<16xi32>
      %sign3A_305 = arith.cmpi slt, %get3A_295, %sign3A_304 : vector<16xi32>
      %sign3A_306 = arith.extui %sign3A_305 : vector<16xi1> to vector<16xi32>
      %sign3A_307 = arith.subi %sign3A_302, %sign3A_306 : vector<16xi32>
      %sign3A_308 = arith.constant 0 : i32
      %sign3A_309 = arith.cmpi sgt, %jit3A_296, %sign3A_308 : i32
      %sign3A_310 = arith.extui %sign3A_309 : i1 to i32
      %sign3A_311 = arith.constant 0 : i32
      %sign3A_312 = arith.cmpi slt, %jit3A_296, %sign3A_311 : i32
      %sign3A_313 = arith.extui %sign3A_312 : i1 to i32
      %sign3A_314 = arith.subi %sign3A_310, %sign3A_313 : i32
      %ne3A_315 = vector.broadcast %sign3A_314 : i32 to vector<16xi32>
      %ne3A_316 = arith.cmpi ne, %sign3A_307, %ne3A_315 : vector<16xi32>
      %rem3A_317 = vector.broadcast %jit3A_296 : i32 to vector<16xi32>
      %rem3A_318 = arith.remsi %get3A_295, %rem3A_317 : vector<16xi32>
      %ne3A_319 = arith.constant 0 : i32
      %ne3A_320 = vector.broadcast %ne3A_319 : i32 to vector<16xi32>
      %ne3A_321 = arith.cmpi ne, %rem3A_318, %ne3A_320 : vector<16xi32>
      %and3A_322 = arith.andi %ne3A_316, %ne3A_321 : vector<16xi1>
      %sub3A_323 = arith.constant 1 : i32
      %sub3A_324 = vector.broadcast %sub3A_323 : i32 to vector<16xi32>
      %sub3A_325 = arith.subi %div3A_298, %sub3A_324 : vector<16xi32>
      %select_n3A_326 = arith.select %and3A_322, %sub3A_325, %div3A_298 : vector<16xi1>, vector<16xi32>
      %jit3A_327 = arith.constant 16 : i32
      %eq3A_328 = arith.constant 0 : i32
      %eq3A_329 = arith.cmpi eq, %jit3A_327, %eq3A_328 : i32
      %jit3A_330 = arith.constant 1 : i32
      %select_n3A_331 = arith.select %eq3A_329, %jit3A_330, %jit3A_327 : i32
      %rem3A_332 = vector.broadcast %select_n3A_331 : i32 to vector<16xi32>
      %rem3A_333 = arith.remsi %get3A_295, %rem3A_332 : vector<16xi32>
      %ne3A_334 = arith.constant 0 : i32
      %ne3A_335 = vector.broadcast %ne3A_334 : i32 to vector<16xi32>
      %ne3A_336 = arith.cmpi ne, %rem3A_333, %ne3A_335 : vector<16xi32>
      %lt3A_337 = arith.constant 0 : i32
      %lt3A_338 = vector.broadcast %lt3A_337 : i32 to vector<16xi32>
      %lt3A_339 = arith.cmpi slt, %rem3A_333, %lt3A_338 : vector<16xi32>
      %lt3A_340 = arith.constant 0 : i32
      %lt3A_341 = arith.cmpi slt, %select_n3A_331, %lt3A_340 : i32
      %ne3A_342 = vector.broadcast %lt3A_341 : i1 to vector<16xi1>
      %ne3A_343 = vector.broadcast %ne3A_342 : vector<16xi1> to vector<16xi1>
      %ne3A_344 = arith.xori %lt3A_339, %ne3A_343 : vector<16xi1>
      %and3A_345 = arith.andi %ne3A_344, %ne3A_336 : vector<16xi1>
      %add3A_346 = vector.broadcast %select_n3A_331 : i32 to vector<16xi32>
      %add3A_347 = arith.addi %rem3A_333, %add3A_346 : vector<16xi32>
      %select_n3A_348 = arith.select %and3A_345, %add3A_347, %rem3A_333 : vector<16xi1>, vector<16xi32>
      tpu.vector_store_idx %arg5[%select_n3A_326, %select_n3A_348], %broadcast_in_dim3A_0 {add = true} : memref<632x16xf32, #tpu.memory_space<vmem>>[vector<16xi32>, vector<16xi32>], vector<16xf32>,
      %get3A_349 = arith.constant 6 : i32
      %get3A_350 = arith.index_cast %get3A_349 : i32 to index
      %get3A_351 = arith.constant 0 : index
      %get3A_352 = tpu.vector_load %arg4[%get3A_350, %get3A_351] {strides = array<i32>} : memref<8x16xi32, #tpu.memory_space<vmem>>, vector<16xi32>,
      %jit3A_353 = arith.constant 16 : i32
      %div3A_354 = vector.broadcast %jit3A_353 : i32 to vector<16xi32>
      %div3A_355 = arith.divsi %get3A_352, %div3A_354 : vector<16xi32>
      %sign3A_356 = arith.constant 0 : i32
      %sign3A_357 = vector.broadcast %sign3A_356 : i32 to vector<16xi32>
      %sign3A_358 = arith.cmpi sgt, %get3A_352, %sign3A_357 : vector<16xi32>
      %sign3A_359 = arith.extui %sign3A_358 : vector<16xi1> to vector<16xi32>
      %sign3A_360 = arith.constant 0 : i32
      %sign3A_361 = vector.broadcast %sign3A_360 : i32 to vector<16xi32>
      %sign3A_362 = arith.cmpi slt, %get3A_352, %sign3A_361 : vector<16xi32>
      %sign3A_363 = arith.extui %sign3A_362 : vector<16xi1> to vector<16xi32>
      %sign3A_364 = arith.subi %sign3A_359, %sign3A_363 : vector<16xi32>
      %sign3A_365 = arith.constant 0 : i32
      %sign3A_366 = arith.cmpi sgt, %jit3A_353, %sign3A_365 : i32
      %sign3A_367 = arith.extui %sign3A_366 : i1 to i32
      %sign3A_368 = arith.constant 0 : i32
      %sign3A_369 = arith.cmpi slt, %jit3A_353, %sign3A_368 : i32
      %sign3A_370 = arith.extui %sign3A_369 : i1 to i32
      %sign3A_371 = arith.subi %sign3A_367, %sign3A_370 : i32
      %ne3A_372 = vector.broadcast %sign3A_371 : i32 to vector<16xi32>
      %ne3A_373 = arith.cmpi ne, %sign3A_364, %ne3A_372 : vector<16xi32>
      %rem3A_374 = vector.broadcast %jit3A_353 : i32 to vector<16xi32>
      %rem3A_375 = arith.remsi %get3A_352, %rem3A_374 : vector<16xi32>
      %ne3A_376 = arith.constant 0 : i32
      %ne3A_377 = vector.broadcast %ne3A_376 : i32 to vector<16xi32>
      %ne3A_378 = arith.cmpi ne, %rem3A_375, %ne3A_377 : vector<16xi32>
      %and3A_379 = arith.andi %ne3A_373, %ne3A_378 : vector<16xi1>
      %sub3A_380 = arith.constant 1 : i32
      %sub3A_381 = vector.broadcast %sub3A_380 : i32 to vector<16xi32>
      %sub3A_382 = arith.subi %div3A_355, %sub3A_381 : vector<16xi32>
      %select_n3A_383 = arith.select %and3A_379, %sub3A_382, %div3A_355 : vector<16xi1>, vector<16xi32>
      %jit3A_384 = arith.constant 16 : i32
      %eq3A_385 = arith.constant 0 : i32
      %eq3A_386 = arith.cmpi eq, %jit3A_384, %eq3A_385 : i32
      %jit3A_387 = arith.constant 1 : i32
      %select_n3A_388 = arith.select %eq3A_386, %jit3A_387, %jit3A_384 : i32
      %rem3A_389 = vector.broadcast %select_n3A_388 : i32 to vector<16xi32>
      %rem3A_390 = arith.remsi %get3A_352, %rem3A_389 : vector<16xi32>
      %ne3A_391 = arith.constant 0 : i32
      %ne3A_392 = vector.broadcast %ne3A_391 : i32 to vector<16xi32>
      %ne3A_393 = arith.cmpi ne, %rem3A_390, %ne3A_392 : vector<16xi32>
      %lt3A_394 = arith.constant 0 : i32
      %lt3A_395 = vector.broadcast %lt3A_394 : i32 to vector<16xi32>
      %lt3A_396 = arith.cmpi slt, %rem3A_390, %lt3A_395 : vector<16xi32>
      %lt3A_397 = arith.constant 0 : i32
      %lt3A_398 = arith.cmpi slt, %select_n3A_388, %lt3A_397 : i32
      %ne3A_399 = vector.broadcast %lt3A_398 : i1 to vector<16xi1>
      %ne3A_400 = vector.broadcast %ne3A_399 : vector<16xi1> to vector<16xi1>
      %ne3A_401 = arith.xori %lt3A_396, %ne3A_400 : vector<16xi1>
      %and3A_402 = arith.andi %ne3A_401, %ne3A_393 : vector<16xi1>
      %add3A_403 = vector.broadcast %select_n3A_388 : i32 to vector<16xi32>
      %add3A_404 = arith.addi %rem3A_390, %add3A_403 : vector<16xi32>
      %select_n3A_405 = arith.select %and3A_402, %add3A_404, %rem3A_390 : vector<16xi1>, vector<16xi32>
      tpu.vector_store_idx %arg5[%select_n3A_383, %select_n3A_405], %broadcast_in_dim3A_0 {add = true} : memref<632x16xf32, #tpu.memory_space<vmem>>[vector<16xi32>, vector<16xi32>], vector<16xf32>,
      %get3A_406 = arith.constant 7 : i32
      %get3A_407 = arith.index_cast %get3A_406 : i32 to index
      %get3A_408 = arith.constant 0 : index
      %get3A_409 = tpu.vector_load %arg4[%get3A_407, %get3A_408] {strides = array<i32>} : memref<8x16xi32, #tpu.memory_space<vmem>>, vector<16xi32>,
      %jit3A_410 = arith.constant 16 : i32
      %div3A_411 = vector.broadcast %jit3A_410 : i32 to vector<16xi32>
      %div3A_412 = arith.divsi %get3A_409, %div3A_411 : vector<16xi32>
      %sign3A_413 = arith.constant 0 : i32
      %sign3A_414 = vector.broadcast %sign3A_413 : i32 to vector<16xi32>
      %sign3A_415 = arith.cmpi sgt, %get3A_409, %sign3A_414 : vector<16xi32>
      %sign3A_416 = arith.extui %sign3A_415 : vector<16xi1> to vector<16xi32>
      %sign3A_417 = arith.constant 0 : i32
      %sign3A_418 = vector.broadcast %sign3A_417 : i32 to vector<16xi32>
      %sign3A_419 = arith.cmpi slt, %get3A_409, %sign3A_418 : vector<16xi32>
      %sign3A_420 = arith.extui %sign3A_419 : vector<16xi1> to vector<16xi32>
      %sign3A_421 = arith.subi %sign3A_416, %sign3A_420 : vector<16xi32>
      %sign3A_422 = arith.constant 0 : i32
      %sign3A_423 = arith.cmpi sgt, %jit3A_410, %sign3A_422 : i32
      %sign3A_424 = arith.extui %sign3A_423 : i1 to i32
      %sign3A_425 = arith.constant 0 : i32
      %sign3A_426 = arith.cmpi slt, %jit3A_410, %sign3A_425 : i32
      %sign3A_427 = arith.extui %sign3A_426 : i1 to i32
      %sign3A_428 = arith.subi %sign3A_424, %sign3A_427 : i32
      %ne3A_429 = vector.broadcast %sign3A_428 : i32 to vector<16xi32>
      %ne3A_430 = arith.cmpi ne, %sign3A_421, %ne3A_429 : vector<16xi32>
      %rem3A_431 = vector.broadcast %jit3A_410 : i32 to vector<16xi32>
      %rem3A_432 = arith.remsi %get3A_409, %rem3A_431 : vector<16xi32>
      %ne3A_433 = arith.constant 0 : i32
      %ne3A_434 = vector.broadcast %ne3A_433 : i32 to vector<16xi32>
      %ne3A_435 = arith.cmpi ne, %rem3A_432, %ne3A_434 : vector<16xi32>
      %and3A_436 = arith.andi %ne3A_430, %ne3A_435 : vector<16xi1>
      %sub3A_437 = arith.constant 1 : i32
      %sub3A_438 = vector.broadcast %sub3A_437 : i32 to vector<16xi32>
      %sub3A_439 = arith.subi %div3A_412, %sub3A_438 : vector<16xi32>
      %select_n3A_440 = arith.select %and3A_436, %sub3A_439, %div3A_412 : vector<16xi1>, vector<16xi32>
      %jit3A_441 = arith.constant 16 : i32
      %eq3A_442 = arith.constant 0 : i32
      %eq3A_443 = arith.cmpi eq, %jit3A_441, %eq3A_442 : i32
      %jit3A_444 = arith.constant 1 : i32
      %select_n3A_445 = arith.select %eq3A_443, %jit3A_444, %jit3A_441 : i32
      %rem3A_446 = vector.broadcast %select_n3A_445 : i32 to vector<16xi32>
      %rem3A_447 = arith.remsi %get3A_409, %rem3A_446 : vector<16xi32>
      %ne3A_448 = arith.constant 0 : i32
      %ne3A_449 = vector.broadcast %ne3A_448 : i32 to vector<16xi32>
      %ne3A_450 = arith.cmpi ne, %rem3A_447, %ne3A_449 : vector<16xi32>
      %lt3A_451 = arith.constant 0 : i32
      %lt3A_452 = vector.broadcast %lt3A_451 : i32 to vector<16xi32>
      %lt3A_453 = arith.cmpi slt, %rem3A_447, %lt3A_452 : vector<16xi32>
      %lt3A_454 = arith.constant 0 : i32
      %lt3A_455 = arith.cmpi slt, %select_n3A_445, %lt3A_454 : i32
      %ne3A_456 = vector.broadcast %lt3A_455 : i1 to vector<16xi1>
      %ne3A_457 = vector.broadcast %ne3A_456 : vector<16xi1> to vector<16xi1>
      %ne3A_458 = arith.xori %lt3A_453, %ne3A_457 : vector<16xi1>
      %and3A_459 = arith.andi %ne3A_458, %ne3A_450 : vector<16xi1>
      %add3A_460 = vector.broadcast %select_n3A_445 : i32 to vector<16xi32>
      %add3A_461 = arith.addi %rem3A_447, %add3A_460 : vector<16xi32>
      %select_n3A_462 = arith.select %and3A_459, %add3A_461, %rem3A_447 : vector<16xi1>, vector<16xi32>
      tpu.vector_store_idx %arg5[%select_n3A_440, %select_n3A_462], %broadcast_in_dim3A_0 {add = true} : memref<632x16xf32, #tpu.memory_space<vmem>>[vector<16xi32>, vector<16xi32>], vector<16xf32>,
    }
    %scan3A_10 = arith.constant 160 : i32
    "tpu.region"() ({
      %run_scoped3A = tpu.sem_alloc : memref<!tpu.dma_semaphore, #tpu.memory_space<semaphore_mem>>
      %dma_start3A = arith.constant 0 : i32
      %dma_start3A_11 = arith.constant 0 : i32
      %dma_start3A_12 = tpu.memref_slice %arg3[%arg0, %arg1, %dma_start3A, %dma_start3A_11] : memref<2x16x632x16xf32, #tpu.memory_space<hbm>> -> memref<1x1x632x16xf32, #tpu.memory_space<hbm>>
      %dma_start3A_13 = tpu.memref_squeeze %dma_start3A_12 : memref<1x1x632x16xf32, #tpu.memory_space<hbm>> -> memref<632x16xf32, #tpu.memory_space<hbm>>
      %dma_start3A_14 = arith.constant 0 : i32
      %dma_start3A_15 = arith.constant 0 : i32
      %dma_start3A_16 = tpu.memref_slice %arg3[%arg0, %arg1, %dma_start3A_14, %dma_start3A_15] : memref<2x16x632x16xf32, #tpu.memory_space<hbm>> -> memref<1x1x632x16xf32, #tpu.memory_space<hbm>>
      %dma_start3A_17 = tpu.memref_squeeze %dma_start3A_16 : memref<1x1x632x16xf32, #tpu.memory_space<hbm>> -> memref<632x16xf32, #tpu.memory_space<hbm>>
      tpu.enqueue_dma source(%arg5 : memref<632x16xf32, #tpu.memory_space<vmem>>) target(%dma_start3A_17 : memref<632x16xf32, #tpu.memory_space<hbm>>) target_semaphore(%run_scoped3A : memref<!tpu.dma_semaphore, #tpu.memory_space<semaphore_mem>>)
      %dma_wait3A = arith.constant 0 : i32
      %dma_wait3A_18 = arith.constant 0 : i32
      %dma_wait3A_19 = tpu.memref_slice %arg3[%arg0, %arg1, %dma_wait3A, %dma_wait3A_18] : memref<2x16x632x16xf32, #tpu.memory_space<hbm>> -> memref<1x1x632x16xf32, #tpu.memory_space<hbm>>
      %dma_wait3A_20 = tpu.memref_squeeze %dma_wait3A_19 : memref<1x1x632x16xf32, #tpu.memory_space<hbm>> -> memref<632x16xf32, #tpu.memory_space<hbm>>
      %dma_wait3A_21 = arith.constant 0 : i32
      %dma_wait3A_22 = arith.constant 0 : i32
      %dma_wait3A_23 = tpu.memref_slice %arg3[%arg0, %arg1, %dma_wait3A_21, %dma_wait3A_22] : memref<2x16x632x16xf32, #tpu.memory_space<hbm>> -> memref<1x1x632x16xf32, #tpu.memory_space<hbm>>
      %dma_wait3A_24 = tpu.memref_squeeze %dma_wait3A_23 : memref<1x1x632x16xf32, #tpu.memory_space<hbm>> -> memref<632x16xf32, #tpu.memory_space<hbm>>
      tpu.wait_dma2 semaphore(%run_scoped3A : memref<!tpu.dma_semaphore, #tpu.memory_space<semaphore_mem>>) src(%arg5 : memref<632x16xf32, #tpu.memory_space<vmem>>) dst(%dma_wait3A_24 : memref<632x16xf32, #tpu.memory_space<hbm>>)
      tpu.yield
    }) : () -> ()
    return
  }
}

</mosaic_0001>

<sc_bundles>
// kernel: _hist.3.cloned.1.call-start
scs
__scs_entry_jumppad:
0x0: {  	(pc) =	sbr.rel $0x88, $3  }
0x1: {  	(tag) =	ssettag $0x0;
	lr =	simm.s32 $0x1  }
0x2: {  	[smem:$0x3FA0] =	sst lr;
	_ =	strace $0xD0000000  }
0x3: {  	_ = 	snop  }
0x4: {  	_ = 	snop  }
0x5: {  	_ = 	snop  }
0x6: {  	_ = 	snop  }
0x7: {  	_ = 	snop  }
__scs_overlays_trampoline_lowered:
0x8: {  	[smem:$0x3FAF] =	sst s0  }
0x9: {  	[smem:$0x3FB0] =	sst s1  }
0xa: {  	[smem:$0x3FB1] =	sst s2  }
0xb: {  	[smem:$0x3FB2] =	sst s3  }
0xc: {  	[smem:$0x3FB3] =	sst s4  }
0xd: {  	[smem:$0x3FB4] =	sst s5  }
0xe: {  	[smem:$0x3FB5] =	sst s6  }
0xf: {  	[smem:$0x3FB6] =	sst s7  }
0x10: {  	[smem:$0x3FB7] =	sst s8  }
0x11: {  	[smem:$0x3FB8] =	sst s9;
	s0 =	simm.s32 @!p0 $0x0  }
0x12: {  	s1 =	sld [smem:$0x3F9E];
	s0 =	simm.s32 @p0 $0x1  }
0x13: {  	[smem:$0x3FB9] =	sst s0;
	s0 =	simm.s32 @!p1 $0x0  }
0x14: {  	s2 =	sld [smem:$0x3F9D];
	s0 =	simm.s32 @p1 $0x1  }
0x15: {  	[smem:$0x3FBA] =	sst s0;
	s0 =	simm.s32 @!p2 $0x0  }
0x16: {  	s3 =	sld [smem:$0x3FDB];
	s0 =	simm.s32 @p2 $0x1  }
0x17: {  	s4 =	simm.s32 $0x1BF5;
	[smem:$0x3FBC] =	sst s0  }
0x18: {  	s0 =	sld [smem:$0x3F9F];
	_ =	swait.ge [sflag:s4], $0x0  }
0x19: {  	s7 =	sld [smem:$0x3FA0]  }
0x1a: {  	s8 =	sadd.s32 $0xFFFFE003, lr  }
0x1b: {  	s9 =	sadd.s32 $0xFFFFFEF7, lr;
	s5 =	simm.s32 $0xFFFFFFFF;
	p2 =	slt.u32 s8, $0xFFFFF086  }
0x1c: {  	p1 =	slt.u32 s9, $0xF7A;
	s5 =	simm.s32 @!p2 $0x0  }
0x1d: {  	s5 =	simm.s32 @p1 $0x1;
	p0 =	seq.s32 s7, s2  }
0x1e: {  	s7 =	smul.u32 @!p0 $0xF7A, s2;
	p2 =	seq.s32 @!p0 s5, $0x0  }
0x1f: {  	s9 =	smul.u32 $0xF7A, s1;
	s8 =	simm.s32 @!p0 $0x1BF5;
	p2 =	por !p2, p0  }
0x20: {  	[sflag:s8] =	ssyncset.s32 @!p0 $0xFFFFF086;
	s6 =	sadd.s32 @!p0 s3, s7;
	s7 =	simm.s32 @!p0 $0x108  }
0x21: {  	s3 =	sadd.s32 s3, s9;
	s6 =	sadd.s32 @!p0 $0x88, s6;
	s7 =	simm.s32 @p2 $0x1082  }
0x22: {  	[simem:s7], [sflag:s8] =	dma.local @!p0 [hbm:s6], $0xF7A  }
0x23: {  	s9 =	sor.u32 $0xD0000000, s2;
	s6 =	simm.s32 $0x108;
	_ =	swait.ge @!p0 [sflag:s8], $0x0  }
0x24: {  	s3 =	sadd.s32 $0x88, s3;
	s6 =	simm.s32 @!p1 $0x1082;
	[sflag:s4] =	ssyncset.s32 $0xFFFFF086  }
0x25: {  	[simem:s6], [sflag:s4] =	dma.local [hbm:s3], $0xF7A  }
0x26: {  	[smem:$0x3FA0] =	sst s1;
	(tag) =	ssettag s2;
	_ =	strace s9  }
0x27: {  	s1 =	sld [smem:$0x3FB0]  }
0x28: {  	s2 =	sld [smem:$0x3FB1]  }
0x29: {  	s4 =	sld [smem:$0x3FB3]  }
0x2a: {  	p0 =	seq.s32 s5, $0x0;
	s5 =	sld [smem:$0x3FB4]  }
0x2b: {  	s6 =	sld [smem:$0x3FB5]  }
0x2c: {  	s7 =	sld [smem:$0x3FB6]  }
0x2d: {  	s3 =	simm.s32 $0x108;
	s8 =	sld [smem:$0x3FB7]  }
0x2e: {  	s3 =	simm.s32 @!p0 $0x1082;
	s9 =	sld [smem:$0x3FB8]  }
0x2f: {  	lr =	sadd.s32 s0, s3;
	s0 =	sld [smem:$0x3FAF]  }
0x30: {  	s3 =	sld [smem:$0x3FB2]  }
0x31: {  	[smem:$0x3FBB] =	sst s10  }
0x32: {  	s10 =	sld [smem:$0x3FB9];
	_ =	sdelay $0x3  }
0x33: {  	p0 =	seq.s32 s10, $0x1;
	s10 =	sld [smem:$0x3FBB];
	_ =	sdelay $0x3  }
0x34: {  	[smem:$0x3FBB] =	sst s10  }
0x35: {  	s10 =	sld [smem:$0x3FBA];
	_ =	sdelay $0x3  }
0x36: {  	p1 =	seq.s32 s10, $0x1;
	s10 =	sld [smem:$0x3FBB];
	_ =	sdelay $0x3  }
0x37: {  	[smem:$0x3FBB] =	sst s10  }
0x38: {  	s10 =	sld [smem:$0x3FBC]  }
0x39: {  	_ = 	snop;
	(pc) =	sbr.ind lr, $3  }
0x3a: {  	_ = 	snop  }
0x3b: {  	_ = 	snop  }
0x3c: {  	p2 =	seq.s32 s10, $0x1;
	s10 =	sld [smem:$0x3FBB]  }
0x3d: {  	_ =	shalt  }
0x3e: {  	_ =	shalt  }
0x3f: {  	_ =	shalt  }
0x40: {  	_ =	shalt  }
0x41: {  	_ =	shalt  }
0x42: {  	_ =	shalt  }
0x43: {  	_ =	shalt  }
0x44: {  	_ =	shalt  }
0x45: {  	_ =	shalt  }
0x46: {  	_ =	shalt  }
0x47: {  	_ =	shalt  }
0x48: {  	_ =	shalt  }
0x49: {  	_ =	shalt  }
0x4a: {  	_ =	shalt  }
0x4b: {  	_ =	shalt  }
0x4c: {  	_ =	shalt  }
0x4d: {  	_ =	shalt  }
0x4e: {  	_ =	shalt  }
0x4f: {  	_ =	shalt  }
0x50: {  	_ =	shalt  }
0x51: {  	_ =	shalt  }
0x52: {  	_ =	shalt  }
0x53: {  	_ =	shalt  }
0x54: {  	_ =	shalt  }
0x55: {  	_ =	shalt  }
0x56: {  	_ =	shalt  }
0x57: {  	_ =	shalt  }
0x58: {  	_ =	shalt  }
0x59: {  	_ =	shalt  }
0x5a: {  	_ =	shalt  }
0x5b: {  	_ =	shalt  }
0x5c: {  	_ =	shalt  }
0x5d: {  	_ =	shalt  }
0x5e: {  	_ =	shalt  }
0x5f: {  	_ =	shalt  }
0x60: {  	_ =	shalt  }
0x61: {  	_ =	shalt  }
0x62: {  	_ =	shalt  }
0x63: {  	_ =	shalt  }
0x64: {  	_ =	shalt  }
0x65: {  	_ =	shalt  }
0x66: {  	_ =	shalt  }
0x67: {  	_ =	shalt  }
0x68: {  	_ =	shalt  }
0x69: {  	_ =	shalt  }
0x6a: {  	_ =	shalt  }
0x6b: {  	_ =	shalt  }
0x6c: {  	_ =	shalt  }
0x6d: {  	_ =	shalt  }
0x6e: {  	_ =	shalt  }
0x6f: {  	_ =	shalt  }
0x70: {  	_ =	shalt  }
0x71: {  	_ =	shalt  }
0x72: {  	_ =	shalt  }
0x73: {  	_ =	shalt  }
0x74: {  	_ =	shalt  }
0x75: {  	_ =	shalt  }
0x76: {  	_ =	shalt  }
0x77: {  	_ =	shalt  }
0x78: {  	_ =	shalt  }
0x79: {  	_ =	shalt  }
0x7a: {  	_ =	shalt  }
0x7b: {  	_ =	shalt  }
0x7c: {  	_ =	shalt  }
0x7d: {  	_ =	shalt  }
0x7e: {  	_ =	shalt  }
0x7f: {  	_ =	shalt  }
0x80: {  	_ =	shalt  }
0x81: {  	_ =	shalt  }
0x82: {  	_ =	shalt  }
0x83: {  	_ =	shalt  }
0x84: {  	_ =	shalt  }
0x85: {  	_ =	shalt  }
0x86: {  	_ =	shalt  }
0x87: {  	_ =	shalt  }
.Lfunc_end0:
.L_simem_size_0:
called_computation_lowered:
.L_overlay_start_0:
0x88: {  	s2 =	sld [smem:$0x3FD9]  }
0x89: {  	s3 =	sld [smem:$0x3FFE];
	_ =	sdelay $0x1  }
0x8a: {  	s1 =	srdreg.scid  }
0x8b: {  	s0 =	sand.u32 $0x1, s1  }
0x8c: {  	s16 =	sshll.u32 s0, $0xA;
	s2 =	sadd.s32 s3, s2  }
0x8d: {  	s2 =	sadd.s32 s2, s16  }
0x8e: {  	[smem:$0x3FC7] =	sst s2  }
0x8f: {  	_ = 	snop  }
0x90: {  	(tm) =	ssettm $0x1  }
0x91: {  	s17 =	sld [smem:$0x3FFB];
	_ =	sdelay $0x3  }
0x92: {  	_ =	strace s17  }
0x93: {  	s2 =	sld [smem:$0x3FFC];
	_ =	sdelay $0x3  }
0x94: {  	_ =	strace s2  }
0x95: {  	s2 =	sld [smem:$0x3FFD];
	_ =	sdelay $0x3  }
0x96: {  	_ =	strace s2  }
0x97: {  	_ =	strace $0x8FFFFFFF  }
0x98: {  	s18 =	sld [smem:$0x3FDB];
	_ =	sdelay $0x1  }
0x99: {  	s19 =	simm.s32 $_scs_section_size  }
0x9a: {  	s4 =	simm.s32 $_size__tile_overlayer_lowered;
	s5 =	simm.s32 $_tile_overlayer_lowered  }
0x9b: {  	s22 =	simm.s32 $0x1BFF;
	s21 =	sshll.u32 s5, $0x1;
	s2 =	sadd.s32 s19, s18  }
0x9c: {  	s6 =	simm.s32 $0x0;
	s20 =	sshll.u32 s4, $0x1;
	s4 =	sadd.s32 s21, s2  }
0x9d: {  	[timem:s6], [sflag:s22] =	dma.local [hbm:s4], s20  }
0x9e: {  	_ =	swait.ge [sflag:s22], s20  }
0x9f: {  	s3 =	ssub.s32 $0x0, s20;
	[sflag:s22] =	ssyncset.done $0x0  }
0xa0: {  	[sflag:s22] =	ssyncadd.s32 s3;
	_ =	sdelay $0x1  }
0xa1: {  	s23 =	simm.s32 $0x1B8B  }
0xa2: {  	_ =	swait.ge [sflag:s23], $0x1  }
0xa3: {  	[sflag:s23] =	ssyncset.done $0x0  }
0xa4: {  	s25 =	simm.s32 $0x1B8E;
	s24 =	sld [smem:$0x3FFE];
	[sflag:s23] =	ssyncadd.s32 $0xFFFFFFFF  }
0xa5: {  	s26 =	simm.s32 $execute0_lowered;
	[smem:$0x3FD2] =	sst s25  }
0xa6: {  	s4 =	sshll.u32 s26, $0x1;
	_ =	strace $0x80000046;
	[dreg:$0x1] =	wrdreg $0xFFFFFFFF  }
0xa7: {  	s28 =	simm.s32 $_size_execute0_lowered;
	s2 =	sadd.s32 s2, s4;
	[dreg:$0x0] =	wrdreg $0x0  }
0xa8: {  	s4 =	sshll.u32 s28, $0x1;
	[dreg:$0x2] =	wrdreg s2  }
0xa9: {  	[dreg:$0x3] =	wrdreg s4  }
0xaa: {  	[dreg:$0x4] =	wrdreg $0xC0  }
0xab: {  	_ =	task [dreg:s6], $0x5FFFF  }
0xac: {  	[dreg:$0x1] =	wrdreg $0xFFFFFFFF  }
0xad: {  	[dreg:$0x0] =	wrdreg $0x60  }
0xae: {  	[dreg:$0x2] =	wrdreg s24  }
0xaf: {  	[dreg:$0x3] =	wrdreg $0x9  }
0xb0: {  	_ =	task.clear_ibuf [dreg:s6], $0x4FFFF;
	_ =	strace $0x90000046  }
0xb1: {  	s29 =	simm.s32 $0x9;
	_ =	strace $0x80000048  }
0xb2: {  	_ =	swait.ge [sflag:s29], $0x1  }
0xb3: {  	[sflag:s29] =	ssyncadd.s32 $0xFFFFFFFF  }
0xb4: {  	_ =	strace $0x90000048  }
0xb5: {  	_ =	sfence  }
0xb6: {  	s30 =	sld [smem:$0x0];
	_ =	sdelay $0x2  }
0xb7: {  	s31 =	sshll.u32 s1, $0xD;
	s1 =	sshrl.u32 s1, $0x2  }
0xb8: {  	s3 =	sand.u32 $0x4000, s31;
	s1 =	sadd.s32 s1, s30  }
0xb9: {  	s0 =	sor.u32 s3, s0;
	s1 =	sshll.u32 s1, $0x11  }
0xba: {  	s0 =	sor.u32 s1, s0  }
0xbb: {  	s0 =	sadd.s32 $0x8F2B, s0  }
0xbc: {  	[sflag:s0] =	ssyncadd.remote.s32 $0x1  }
0xbd: {  	_ =	sfence.sel $0xFFFF  }
0xbe: {  	[dreg:$0x0] =	wrdreg $0xFFFFFFFF;
	(pc) =	sbr.abs _section_cstart, $3  }
0xbf: {  	[dreg:$0x1] =	wrdreg $0xFFFFFFFF  }
0xc0: {  	_ =	task.clear_ibuf [dreg:s6], $0x2FFFF;
	_ =	strace $0x9FFFFFFF  }
0xc1: {  	(tm) =	ssettm $0x7FFFFFFF  }
tec
execute0_lowered:
.L_overlay_start_1:
0x0: {  	(tag) =	ssettag $0x1  }
0x1: {  	s0 =	srdreg.scid  }
0x2: {  	s3 =	sand.u32 $0x1, s0  }
0x3: {  	s0 =	stileid.u32;
	s4 =	smul.u32 $0x280000, s3  }
0x4: {  	s5 =	rddreg [dreg:$0x0];
	s6 =	smul.u32 $0x28000, s0  }
0x5: {  	s1 =	rddreg [dreg:$0x1];
	s2 =	simm.s32 $0x0;
	s7 =	smul.u32 $0x13C000, s3  }
0x6: {  	[smem:$0x7FF] =	sst s2;
	s8 =	smul.u32 $0x13C00, s0;
	s3 =	ssub.s32 $0x2, s3  }
0x7: {  	_ =	strace $0x80000047;
	s28 =	sshrl.u32 s3, $0x1;
	s4 =	sadd.s32 s6, s4  }
0x8: {  	s26 =	sadd.s32 s8, s7;
	s31 =	ssub.s32 s3, s28;
	s7 =	simm.s32 $0x400  }
0x9: {  	s8 =	simm.s32 $0x0;
	s4 =	sshrl.u32 s4, $0x3;
	s6 =	sshrl.u32 s26, $0x3  }
0xa: {  	s29 =	sadd.s32 s4, s5;
	s30 =	sadd.s32 s6, s5;
	s4 =	smax.u32 s31, $0x1  }
0xb: {  	v0 =	vimm.f32 $0.0e+00;
	v1 =	vimm.s32 $0x0;
	v2 =	vimm.f32 $1.000000000e+00;
	s6 =	simm.s32 $0x1;
	s3 =	sadd.s32 $0xA0400, s30;
	s5 =	sadd.s32 $0x400, s29  }
.LBB2_1:
0xc: {  	s9 =	simm.s32 $0x0  }
.LBB2_2:
0xd: {  	p0 =	sne.s32 s9, $0x4EE00  }
.Ltmp0:
0xe: {  	_ = 	snop;
	(pc) =	sbr.rel @p0 .LBB2_2-.Ltmp0, $3  }
0xf: {  	_ =	sdelay $0x1  }
0x10: {  	s10 =	sshra.s32 s9, $0x2  }
0x11: {  	s9 =	sadd.s32 $0x200, s9;
	[tilespmem:s10+$0x400] =	vst v0  }
0x12: {  	s9 =	simm.s32 $0x0  }
.LBB2_4:
0x13: {  	s10 =	sadd.s32 s9, s5  }
0x14: {  	[tilespmem:s2], [sflag:$0x1] =	stream.linear.gather [hbm4b:s10+s2], $0x400, $0x38;
	[tilespmem:$0x14000] =	vst v63  }
0x15: {  	_ =	swait.ge [sflag:s6], $0x400  }
0x16: {  	[sflag:s6] =	ssyncset.done $0x0  }
0x17: {  	[sflag:s6] =	ssyncadd.s32 $0xFFFFFC00  }
0x18: {  	v3 =	vld [tilespmem:$0x0];
	_ =	sdelay $0x4  }
0x19: {  	v4 =	vshra.s32 v3, $0x1F  }
0x1a: {  	v4 =	vshrl.u32 v4, $0x1C  }
0x1b: {  	v4 =	vadd.s32 v4, v3  }
0x1c: {  	v4 =	vshra.s32 v4, $0x4  }
0x1d: {  	v5 =	vshll.u32 v4, $0x4  }
0x1e: {  	vm0 =	vlt.s32 v3, $0x1;
	vm1 =	vne.s32 v3, v5  }
0x1f: {  	vm0 =	vmand vm0, vm1  }
0x20: {  	v42 =	vsel vm0, $0xFFFFFFFF, v1  }
0x21: {  	v4 =	vadd.s32 v42, v4  }
0x22: {  	v3 =	vand.u32 $0xF, v3;
	v4 =	vshll.u32 v4, $0x7  }
0x23: {  	v3 =	vor.u32 v3, v4;
	_ =	sdelay $0x4  }
0x24: {  	[tilespmem:v3+s7+$0x0] =	vst.idx.add.f32.msk $0xffff, v2  }
0x25: {  	v3 =	vld [tilespmem:$0x80];
	_ =	sdelay $0x4  }
0x26: {  	v43 =	vshra.s32 v3, $0x1F  }
0x27: {  	v4 =	vshrl.u32 v43, $0x1C  }
0x28: {  	v4 =	vadd.s32 v4, v3  }
0x29: {  	v44 =	vand.u32 $0xFFFFFFF0, v4  }
0x2a: {  	vm14 =	vlt.s32 v3, $0x1;
	vm15 =	vne.s32 v3, v44  }
0x2b: {  	vm0 =	vmand vm14, vm15  }
0x2c: {  	v4 =	vshrl.u32 v4, $0x4;
	v45 =	vsel vm0, $0xFFFFFFFF, v1  }
0x2d: {  	v4 =	vadd.s32 v45, v4  }
0x2e: {  	v3 =	vand.u32 $0xF, v3;
	v4 =	vshll.u32 v4, $0x7  }
0x2f: {  	v3 =	vor.u32 v3, v4;
	_ =	sdelay $0x4  }
0x30: {  	[tilespmem:v3+s7+$0x0] =	vst.idx.add.f32.msk $0xffff, v2  }
0x31: {  	v3 =	vld [tilespmem:$0x100];
	_ =	sdelay $0x4  }
0x32: {  	v46 =	vshra.s32 v3, $0x1F  }
0x33: {  	v4 =	vshrl.u32 v46, $0x1C  }
0x34: {  	v4 =	vadd.s32 v4, v3  }
0x35: {  	v47 =	vand.u32 $0xFFFFFFF0, v4  }
0x36: {  	vm4 =	vlt.s32 v3, $0x1;
	vm5 =	vne.s32 v3, v47  }
0x37: {  	vm0 =	vmand vm4, vm5  }
0x38: {  	v4 =	vshrl.u32 v4, $0x4;
	v48 =	vsel vm0, $0xFFFFFFFF, v1  }
0x39: {  	v4 =	vadd.s32 v48, v4  }
0x3a: {  	v3 =	vand.u32 $0xF, v3;
	v4 =	vshll.u32 v4, $0x7  }
0x3b: {  	v3 =	vor.u32 v3, v4;
	_ =	sdelay $0x4  }
0x3c: {  	[tilespmem:v3+s7+$0x0] =	vst.idx.add.f32.msk $0xffff, v2  }
0x3d: {  	v3 =	vld [tilespmem:$0x180];
	_ =	sdelay $0x4  }
0x3e: {  	v49 =	vshra.s32 v3, $0x1F  }
0x3f: {  	v4 =	vshrl.u32 v49, $0x1C  }
0x40: {  	v4 =	vadd.s32 v4, v3  }
0x41: {  	v50 =	vand.u32 $0xFFFFFFF0, v4  }
0x42: {  	vm6 =	vlt.s32 v3, $0x1;
	vm7 =	vne.s32 v3, v50  }
0x43: {  	vm0 =	vmand vm6, vm7  }
0x44: {  	v4 =	vshrl.u32 v4, $0x4;
	v51 =	vsel vm0, $0xFFFFFFFF, v1  }
0x45: {  	v4 =	vadd.s32 v51, v4  }
0x46: {  	v3 =	vand.u32 $0xF, v3;
	v4 =	vshll.u32 v4, $0x7  }
0x47: {  	v3 =	vor.u32 v3, v4;
	_ =	sdelay $0x4  }
0x48: {  	[tilespmem:v3+s7+$0x0] =	vst.idx.add.f32.msk $0xffff, v2  }
0x49: {  	v3 =	vld [tilespmem:$0x200];
	_ =	sdelay $0x4  }
0x4a: {  	v52 =	vshra.s32 v3, $0x1F  }
0x4b: {  	v4 =	vshrl.u32 v52, $0x1C  }
0x4c: {  	v4 =	vadd.s32 v4, v3  }
0x4d: {  	v53 =	vand.u32 $0xFFFFFFF0, v4  }
0x4e: {  	vm8 =	vlt.s32 v3, $0x1;
	vm9 =	vne.s32 v3, v53  }
0x4f: {  	vm0 =	vmand vm8, vm9  }
0x50: {  	v4 =	vshrl.u32 v4, $0x4;
	v54 =	vsel vm0, $0xFFFFFFFF, v1  }
0x51: {  	v4 =	vadd.s32 v54, v4  }
0x52: {  	v3 =	vand.u32 $0xF, v3;
	v4 =	vshll.u32 v4, $0x7  }
0x53: {  	v3 =	vor.u32 v3, v4;
	_ =	sdelay $0x4  }
0x54: {  	[tilespmem:v3+s7+$0x0] =	vst.idx.add.f32.msk $0xffff, v2  }
0x55: {  	v3 =	vld [tilespmem:$0x280];
	_ =	sdelay $0x4  }
0x56: {  	v55 =	vshra.s32 v3, $0x1F  }
0x57: {  	v4 =	vshrl.u32 v55, $0x1C  }
0x58: {  	v4 =	vadd.s32 v4, v3  }
0x59: {  	v56 =	vand.u32 $0xFFFFFFF0, v4  }
0x5a: {  	vm10 =	vlt.s32 v3, $0x1;
	vm11 =	vne.s32 v3, v56  }
0x5b: {  	vm0 =	vmand vm10, vm11  }
0x5c: {  	v4 =	vshrl.u32 v4, $0x4;
	v57 =	vsel vm0, $0xFFFFFFFF, v1  }
0x5d: {  	v4 =	vadd.s32 v57, v4  }
0x5e: {  	v3 =	vand.u32 $0xF, v3;
	v4 =	vshll.u32 v4, $0x7  }
0x5f: {  	v3 =	vor.u32 v3, v4;
	_ =	sdelay $0x4  }
0x60: {  	[tilespmem:v3+s7+$0x0] =	vst.idx.add.f32.msk $0xffff, v2  }
0x61: {  	v3 =	vld [tilespmem:$0x300];
	_ =	sdelay $0x4  }
0x62: {  	v58 =	vshra.s32 v3, $0x1F  }
0x63: {  	v4 =	vshrl.u32 v58, $0x1C  }
0x64: {  	v4 =	vadd.s32 v4, v3  }
0x65: {  	v59 =	vand.u32 $0xFFFFFFF0, v4  }
0x66: {  	vm12 =	vlt.s32 v3, $0x1;
	vm13 =	vne.s32 v3, v59  }
0x67: {  	vm0 =	vmand vm12, vm13  }
0x68: {  	v4 =	vshrl.u32 v4, $0x4;
	v60 =	vsel vm0, $0xFFFFFFFF, v1  }
0x69: {  	v4 =	vadd.s32 v60, v4  }
0x6a: {  	v3 =	vand.u32 $0xF, v3;
	v4 =	vshll.u32 v4, $0x7  }
0x6b: {  	v3 =	vor.u32 v3, v4;
	_ =	sdelay $0x4  }
0x6c: {  	[tilespmem:v3+s7+$0x0] =	vst.idx.add.f32.msk $0xffff, v2  }
0x6d: {  	v3 =	vld [tilespmem:$0x380];
	_ =	sdelay $0x4  }
0x6e: {  	v61 =	vshra.s32 v3, $0x1F  }
0x6f: {  	v4 =	vshrl.u32 v61, $0x1C  }
0x70: {  	v4 =	vadd.s32 v4, v3  }
0x71: {  	v62 =	vand.u32 $0xFFFFFFF0, v4  }
0x72: {  	vm14 =	vlt.s32 v3, $0x1;
	vm15 =	vne.s32 v3, v62  }
0x73: {  	vm0 =	vmand vm14, vm15  }
0x74: {  	v4 =	vshrl.u32 v4, $0x4;
	v63 =	vsel vm0, $0xFFFFFFFF, v1  }
0x75: {  	v4 =	vadd.s32 v63, v4  }
0x76: {  	v3 =	vand.u32 $0xF, v3;
	v4 =	vshll.u32 v4, $0x7  }
0x77: {  	p0 =	sne.s32 s9, $0x4F80;
	v3 =	vor.u32 v3, v4  }
.Ltmp1:
0x78: {  	_ = 	snop;
	(pc) =	sbr.rel @p0 .LBB2_4-.Ltmp1, $2  }
0x79: {  	_ =	sdelay $0x2  }
0x7a: {  	s9 =	sadd.s32 $0x80, s9;
	[tilespmem:v3+s7+$0x0] =	vst.idx.add.f32.msk $0xffff, v2  }
0x7b: {  	s8 =	sadd.s32 $0x1, s8  }
0x7c: {  	p0 =	sne.s32 s8, s4  }
.Ltmp2:
0x7d: {  	_ = 	snop;
	(pc) =	sbr.rel @p0 .LBB2_1-.Ltmp2, $4  }
0x7e: {  	[hbm4b:s3+s2] =	stream.linear.scatter [tilespmem:s7], [sflag:$0x1], $0x13C00, $0x38;
	[tilespmem:$0x14000] =	vst v63  }
0x7f: {  	_ =	swait.ge [sflag:s6], $0x13C00  }
0x80: {  	[sflag:s6] =	ssyncset.done $0x0  }
0x81: {  	[sflag:s6] =	ssyncadd.s32 $0xFFFEC400  }
0x82: {  	_ =	sfence.sel $0x180000  }
0x83: {  	[bflag:$0x0] =	sbarrier.arrive $0xFFFF  }
0x84: {  	p0 =	sne.s32 s0, $0x0;
	_ =	strace $0x90000047  }
0x85: {  	s0 =	sadd.s32 @!p0 $0x100000, s1;
	[bflag:$0x2] =	sbarrier.arrive $0xFFFF  }
0x86: {  	[sflag:s0] =	ssyncadd.tile.s32 @!p0 $0x1;
	_ =	shalt  }
.Lfunc_end2:
_tile_overlayer_lowered:
.L_overlay_start_2:
0x87: {  	(tag) =	ssettag $0x2  }
0x88: {  	s0 =	rddreg [dreg:$0x0];
	s2 =	stileid.u32  }
0x89: {  	s1 =	rddreg [dreg:$0x1];
	p0 =	sne.s32 s2, $0x0  }
0x8a: {  	s3 =	rddreg [dreg:$0x2];
	[bflag:$0x3] =	sbarrier.arrive $0xFFFF;
	s2 =	simm.s32 @!p0 $0x1C01  }
0x8b: {  	[timem:s3], [sflag:s2] =	dma.local @!p0 [hbm:s0], s1  }
0x8c: {  	s0 =	simm.s32 @!p0 $0x1  }
0x8d: {  	_ =	swait.ge @!p0 [sflag:s0], s1  }
0x8e: {  	s1 =	ssub.s32 @!p0 $0x0, s1;
	[sflag:s0] =	ssyncset.done @!p0 $0x0  }
0x8f: {  	[sflag:s0] =	ssyncadd.s32 @!p0 s1  }
0x90: {  	[bflag:$0x3] =	sbarrier.arrive $0xFFFF  }
0x91: {  	_ =	shalt  }

</sc_bundles>
